<compile_context>
chip_gen: v7x
topology: tpu7x:2x2x1
jax: 0.10.2.dev20260603
libtpu: 0.0.44.dev20260713+nightly
codegen_flags: <defaults>
</compile_context>

<pallas_src>
import functools

import jax
import jax.numpy as jnp
from jax import lax
from jax.experimental import pallas as pl
from jax.experimental.pallas import tpu as pltpu
from jax.experimental.pallas import tpu_sc as plsc

VOCAB = 32000
PAD = 0
SMOOTH = 0.1
CONF = 1.0 - SMOOTH
EPS = SMOOTH / (VOCAB - 2)

ROW_BLK = 256
COL_BLK = 6400
LANES = 128

_SC_INFO = plsc.get_sparse_core_info()
_NW = _SC_INFO.num_cores * _SC_INFO.num_subcores
_VEC = 16


def _gather_body(n_rows):
    b_per_w = n_rows // _NW
    n_chunks = b_per_w // _VEC

    def body(pred2d_hbm, tgt_hbm, out_hbm, tgt_v, ridx_v, rows_v, sem):
        wid = (lax.axis_index("s") * _SC_INFO.num_cores + lax.axis_index("c"))
        base = wid * b_per_w
        pltpu.sync_copy(tgt_hbm.at[pl.ds(base, b_per_w)], tgt_v)
        blocks_per_row = 1
        for k in range(n_chunks):
            t = tgt_v[pl.ds(k * _VEC, _VEC)]
            row = (base + k * _VEC + lax.iota(jnp.int32, _VEC))
            ridx_v[pl.ds(k * _VEC, _VEC)] = (
                row * blocks_per_row + (t >> 7))
        pltpu.async_copy(pred2d_hbm.at[ridx_v], rows_v, sem).wait()
        pltpu.sync_copy(rows_v, out_hbm.at[pl.ds(base, b_per_w)])

    return body, b_per_w


def _sc_gather(pred, target):
    n = pred.shape[0]
    body, b_per_w = _gather_body(n)
    mesh = plsc.VectorSubcoreMesh(core_axis_name="c", subcore_axis_name="s")
    fn = pl.kernel(
        body,
        mesh=mesh,
        out_type=jax.ShapeDtypeStruct((n, LANES), jnp.float32),
        scratch_types=[
            pltpu.VMEM((b_per_w,), jnp.int32),
            pltpu.VMEM((b_per_w,), jnp.int32),
            pltpu.VMEM((b_per_w, LANES), jnp.float32),
            pltpu.SemaphoreType.DMA,
        ],
    )
    pred2d = pred[:, :LANES]
    return fn(pred2d, target)


def _loss_kernel(tgt_ref, pt_ref, pred_ref, out_ref, m_ref, s_ref, tot_ref,
                 p0_ref):
    j = pl.program_id(1)
    nj = pl.num_programs(1)

    x = pred_ref[...]
    blk_max = jnp.max(x, axis=1, keepdims=True)
    blk_tot = jnp.sum(x, axis=1, keepdims=True)

    @pl.when(j == 0)
    def _init():
        m_ref[...] = blk_max
        s_ref[...] = jnp.sum(jnp.exp(x - blk_max), axis=1, keepdims=True)
        tot_ref[...] = blk_tot
        p0_ref[...] = x[:, 0:1]

    @pl.when(j > 0)
    def _update():
        m_old = m_ref[...]
        m_new = jnp.maximum(m_old, blk_max)
        s_ref[...] = (s_ref[...] * jnp.exp(m_old - m_new)
                      + jnp.sum(jnp.exp(x - m_new), axis=1, keepdims=True))
        m_ref[...] = m_new
        tot_ref[...] = tot_ref[...] + blk_tot

    @pl.when(j == nj - 1)
    def _finalize():
        tloc = tgt_ref[0]
        lse = m_ref[...] + jnp.log(s_ref[...])
        s_row = tot_ref[...] - VOCAB * lse
        lp0 = p0_ref[...] - lse
        rows = pt_ref[0]
        lane = jax.lax.broadcasted_iota(jnp.int32, (ROW_BLK, LANES), 1)
        ptv = jnp.sum(jnp.where(lane == (tloc & (LANES - 1)), rows, 0.0),
                      axis=1, keepdims=True)
        lpt = ptv - lse
        c0 = SMOOTH * jnp.log(EPS) + CONF * jnp.log(CONF)
        row_loss = c0 - EPS * (s_row - lp0 - lpt) - CONF * lpt
        row_loss = jnp.where(tloc != PAD, row_loss, 0.0)
        out_ref[...] = jnp.sum(row_loss).reshape(1, 1, 1)


@jax.jit
def kernel(pred, target):
    n, v = pred.shape
    n_i = n // ROW_BLK
    n_j = v // COL_BLK
    tgt = target.astype(jnp.int32)
    return jnp.sum(_sc_gather(pred, tgt))
    pt = _sc_gather(pred, tgt)
    tgt3 = tgt.reshape(n_i, ROW_BLK, 1)
    pt3 = pt.reshape(n_i, ROW_BLK, LANES)
    parts = pl.pallas_call(
        _loss_kernel,
        grid=(n_i, n_j),
        in_specs=[
            pl.BlockSpec((1, ROW_BLK, 1), lambda i, j: (i, 0, 0)),
            pl.BlockSpec((1, ROW_BLK, LANES), lambda i, j: (i, 0, 0)),
            pl.BlockSpec((ROW_BLK, COL_BLK), lambda i, j: (i, j)),
        ],
        out_specs=pl.BlockSpec((1, 1, 1), lambda i, j: (i, 0, 0)),
        out_shape=jax.ShapeDtypeStruct((n_i, 1, 1), jnp.float32),
        scratch_shapes=[pltpu.VMEM((ROW_BLK, 1), jnp.float32)] * 4,
        compiler_params=pltpu.CompilerParams(
            dimension_semantics=("parallel", "arbitrary")),
    )(tgt3, pt3, pred)
    return jnp.sum(parts)

# --- scband reference (transcript-rebuilt; emitter-appended) ---
"""Pipeline reference for scband-label-smoothing-loss-89086211653790 (READ-ONLY COPY).

The authoritative reference and input builder live on the scoring server;
editing this copy changes nothing except your own understanding.
"""

import jax, jax.numpy as jnp
import numpy as np

VOCAB_SIZE = 32000
PADDING_IDX = 0
SMOOTHING = 0.1
CONFIDENCE = 1.0 - SMOOTHING


def setup_inputs(seed: int = 0) -> dict:
    key = jax.random.key(seed)
    k1, k2 = jax.random.split(key)
    pred = jax.random.normal(k1, (2048, VOCAB_SIZE), dtype=jnp.float32)
    target = jax.random.randint(k2, (2048,), 0, VOCAB_SIZE, dtype=jnp.int64 if jax.config.jax_enable_x64 else jnp.int32)
    return {"pred": pred, "target": target}


def reference(pred, target):
    pred2 = pred.reshape(-1, pred.shape[-1])
    tgt = target.reshape(-1)
    logp = jax.nn.log_softmax(pred2, axis=-1)
    n = pred2.shape[0]
    true_dist = jnp.full_like(logp, SMOOTHING / (VOCAB_SIZE - 2))
    true_dist = true_dist.at[jnp.arange(n), tgt].set(CONFIDENCE)
    true_dist = true_dist.at[:, PADDING_IDX].set(0.0)
    mask = (tgt == PADDING_IDX)
    true_dist = jnp.where(mask[:, None], 0.0, true_dist)
    # KLDivLoss(reduction='sum'): sum over all elements of t * (log(t) - logp), with 0*log(0)=0
    log_t = jnp.where(true_dist > 0, jnp.log(jnp.where(true_dist > 0, true_dist, 1.0)), 0.0)
    kl = true_dist * (log_t - logp)
    kl = jnp.where(true_dist > 0, kl, 0.0)
    return jnp.sum(kl)

if __name__ == "__main__":
    import jax
    _d = setup_inputs()
    print(jax.jit(kernel)(*tuple(_d.values())))

</pallas_src>

<mosaic_0001>
#map = affine_map<(d0, d1) -> (0, 0)>
#map1 = affine_map<(d0, d1) -> (0)>
module attributes {stable_mosaic.version = 14 : i64} {
  func.func @body(%arg0: i32, %arg1: i32, %arg2: memref<2048x128xf32, #tpu.memory_space<hbm>>, %arg3: memref<2048xi32, #tpu.memory_space<hbm>>, %arg4: memref<2048x128xf32, #tpu.memory_space<hbm>>, %arg5: memref<64xi32, #tpu.memory_space<vmem>>, %arg6: memref<64xi32, #tpu.memory_space<vmem>>, %arg7: memref<64x128xf32, #tpu.memory_space<vmem>>, %arg8: memref<!tpu.dma_semaphore, #tpu.memory_space<semaphore_mem>>) attributes {dimension_semantics = [#tpu.dimension_semantics<core_parallel>, #tpu.dimension_semantics<subcore_parallel>], iteration_bounds = array<i64: 2, 16>, scalar_prefetch = 0 : i64, scratch_operands = 4 : i64, tpu.core_type = #tpu.core_type<sc_vector_subcore>, window_params = [{transform_indices = #map}, {transform_indices = #map1}, {transform_indices = #map}]} {
    %mul3A = arith.constant 2 : i32
    %mul3A_0 = arith.muli %arg1, %mul3A : i32
    %add3A = arith.addi %mul3A_0, %arg0 : i32
    %mul3A_1 = arith.constant 64 : i32
    %mul3A_2 = arith.muli %add3A, %mul3A_1 : i32
    "tpu.region"() ({
      %run_scoped3A = tpu.sem_alloc : memref<!tpu.dma_semaphore, #tpu.memory_space<semaphore_mem>>
      %dma_start3A_79 = tpu.memref_slice %arg3[%mul3A_2] : memref<2048xi32, #tpu.memory_space<hbm>> -> memref<64xi32, #tpu.memory_space<hbm>>
      %dma_start3A_80 = tpu.memref_slice %arg3[%mul3A_2] : memref<2048xi32, #tpu.memory_space<hbm>> -> memref<64xi32, #tpu.memory_space<hbm>>
      tpu.enqueue_dma source(%dma_start3A_80 : memref<64xi32, #tpu.memory_space<hbm>>) target(%arg5 : memref<64xi32, #tpu.memory_space<vmem>>) target_semaphore(%run_scoped3A : memref<!tpu.dma_semaphore, #tpu.memory_space<semaphore_mem>>)
      %dma_wait3A_81 = tpu.memref_slice %arg3[%mul3A_2] : memref<2048xi32, #tpu.memory_space<hbm>> -> memref<64xi32, #tpu.memory_space<hbm>>
      %dma_wait3A_82 = tpu.memref_slice %arg3[%mul3A_2] : memref<2048xi32, #tpu.memory_space<hbm>> -> memref<64xi32, #tpu.memory_space<hbm>>
      tpu.wait_dma2 semaphore(%run_scoped3A : memref<!tpu.dma_semaphore, #tpu.memory_space<semaphore_mem>>) src(%dma_wait3A_82 : memref<64xi32, #tpu.memory_space<hbm>>) dst(%arg5 : memref<64xi32, #tpu.memory_space<vmem>>)
      tpu.yield
    }) : () -> ()
    %get3A = arith.constant 0 : index
    %get3A_3 = tpu.vector_load %arg5[%get3A] {strides = array<i32>} : memref<64xi32, #tpu.memory_space<vmem>>, vector<16xi32>,
    %get3A_4 = vector.shape_cast %get3A_3 : vector<16xi32> to vector<16xi32>
    %add3A_5 = arith.constant 0 : i32
    %add3A_6 = arith.addi %mul3A_2, %add3A_5 : i32
    %iota3A = tpu.iota {dimensions = array<i32: 0>} : vector<16xi32>
    %add3A_7 = vector.broadcast %add3A_6 : i32 to vector<16xi32>
    %add3A_8 = arith.addi %add3A_7, %iota3A : vector<16xi32>
    %mul3A_9 = arith.constant 1 : i32
    %mul3A_10 = vector.broadcast %mul3A_9 : i32 to vector<16xi32>
    %mul3A_11 = arith.muli %add3A_8, %mul3A_10 : vector<16xi32>
    %shift_right_arithmetic3A = arith.constant 7 : i32
    %shift_right_arithmetic3A_12 = vector.broadcast %shift_right_arithmetic3A : i32 to vector<16xi32>
    %shift_right_arithmetic3A_13 = arith.shrsi %get3A_4, %shift_right_arithmetic3A_12 : vector<16xi32>
    %add3A_14 = arith.addi %mul3A_11, %shift_right_arithmetic3A_13 : vector<16xi32>
    %swap3A = arith.constant 0 : index
    %swap3A_15 = tpu.vector_load %arg6[%swap3A] {strides = array<i32>} : memref<64xi32, #tpu.memory_space<vmem>>, vector<16xi32>,
    %swap3A_16 = vector.shape_cast %swap3A_15 : vector<16xi32> to vector<16xi32>
    %swap3A_17 = vector.shape_cast %add3A_14 : vector<16xi32> to vector<16xi32>
    tpu.vector_store %arg6[%swap3A], %swap3A_17 {strides = array<i32>} : memref<64xi32, #tpu.memory_space<vmem>>, vector<16xi32>,
    %get3A_18 = arith.constant 16 : index
    %get3A_19 = tpu.vector_load %arg5[%get3A_18] {strides = array<i32>} : memref<64xi32, #tpu.memory_space<vmem>>, vector<16xi32>,
    %get3A_20 = vector.shape_cast %get3A_19 : vector<16xi32> to vector<16xi32>
    %add3A_21 = arith.constant 16 : i32
    %add3A_22 = arith.addi %mul3A_2, %add3A_21 : i32
    %iota3A_23 = tpu.iota {dimensions = array<i32: 0>} : vector<16xi32>
    %add3A_24 = vector.broadcast %add3A_22 : i32 to vector<16xi32>
    %add3A_25 = arith.addi %add3A_24, %iota3A_23 : vector<16xi32>
    %mul3A_26 = arith.constant 1 : i32
    %mul3A_27 = vector.broadcast %mul3A_26 : i32 to vector<16xi32>
    %mul3A_28 = arith.muli %add3A_25, %mul3A_27 : vector<16xi32>
    %shift_right_arithmetic3A_29 = arith.constant 7 : i32
    %shift_right_arithmetic3A_30 = vector.broadcast %shift_right_arithmetic3A_29 : i32 to vector<16xi32>
    %shift_right_arithmetic3A_31 = arith.shrsi %get3A_20, %shift_right_arithmetic3A_30 : vector<16xi32>
    %add3A_32 = arith.addi %mul3A_28, %shift_right_arithmetic3A_31 : vector<16xi32>
    %swap3A_33 = arith.constant 16 : index
    %swap3A_34 = tpu.vector_load %arg6[%swap3A_33] {strides = array<i32>} : memref<64xi32, #tpu.memory_space<vmem>>, vector<16xi32>,
    %swap3A_35 = vector.shape_cast %swap3A_34 : vector<16xi32> to vector<16xi32>
    %swap3A_36 = vector.shape_cast %add3A_32 : vector<16xi32> to vector<16xi32>
    tpu.vector_store %arg6[%swap3A_33], %swap3A_36 {strides = array<i32>} : memref<64xi32, #tpu.memory_space<vmem>>, vector<16xi32>,
    %get3A_37 = arith.constant 32 : index
    %get3A_38 = tpu.vector_load %arg5[%get3A_37] {strides = array<i32>} : memref<64xi32, #tpu.memory_space<vmem>>, vector<16xi32>,
    %get3A_39 = vector.shape_cast %get3A_38 : vector<16xi32> to vector<16xi32>
    %add3A_40 = arith.constant 32 : i32
    %add3A_41 = arith.addi %mul3A_2, %add3A_40 : i32
    %iota3A_42 = tpu.iota {dimensions = array<i32: 0>} : vector<16xi32>
    %add3A_43 = vector.broadcast %add3A_41 : i32 to vector<16xi32>
    %add3A_44 = arith.addi %add3A_43, %iota3A_42 : vector<16xi32>
    %mul3A_45 = arith.constant 1 : i32
    %mul3A_46 = vector.broadcast %mul3A_45 : i32 to vector<16xi32>
    %mul3A_47 = arith.muli %add3A_44, %mul3A_46 : vector<16xi32>
    %shift_right_arithmetic3A_48 = arith.constant 7 : i32
    %shift_right_arithmetic3A_49 = vector.broadcast %shift_right_arithmetic3A_48 : i32 to vector<16xi32>
    %shift_right_arithmetic3A_50 = arith.shrsi %get3A_39, %shift_right_arithmetic3A_49 : vector<16xi32>
    %add3A_51 = arith.addi %mul3A_47, %shift_right_arithmetic3A_50 : vector<16xi32>
    %swap3A_52 = arith.constant 32 : index
    %swap3A_53 = tpu.vector_load %arg6[%swap3A_52] {strides = array<i32>} : memref<64xi32, #tpu.memory_space<vmem>>, vector<16xi32>,
    %swap3A_54 = vector.shape_cast %swap3A_53 : vector<16xi32> to vector<16xi32>
    %swap3A_55 = vector.shape_cast %add3A_51 : vector<16xi32> to vector<16xi32>
    tpu.vector_store %arg6[%swap3A_52], %swap3A_55 {strides = array<i32>} : memref<64xi32, #tpu.memory_space<vmem>>, vector<16xi32>,
    %get3A_56 = arith.constant 48 : index
    %get3A_57 = tpu.vector_load %arg5[%get3A_56] {strides = array<i32>} : memref<64xi32, #tpu.memory_space<vmem>>, vector<16xi32>,
    %get3A_58 = vector.shape_cast %get3A_57 : vector<16xi32> to vector<16xi32>
    %add3A_59 = arith.constant 48 : i32
    %add3A_60 = arith.addi %mul3A_2, %add3A_59 : i32
    %iota3A_61 = tpu.iota {dimensions = array<i32: 0>} : vector<16xi32>
    %add3A_62 = vector.broadcast %add3A_60 : i32 to vector<16xi32>
    %add3A_63 = arith.addi %add3A_62, %iota3A_61 : vector<16xi32>
    %mul3A_64 = arith.constant 1 : i32
    %mul3A_65 = vector.broadcast %mul3A_64 : i32 to vector<16xi32>
    %mul3A_66 = arith.muli %add3A_63, %mul3A_65 : vector<16xi32>
    %shift_right_arithmetic3A_67 = arith.constant 7 : i32
    %shift_right_arithmetic3A_68 = vector.broadcast %shift_right_arithmetic3A_67 : i32 to vector<16xi32>
    %shift_right_arithmetic3A_69 = arith.shrsi %get3A_58, %shift_right_arithmetic3A_68 : vector<16xi32>
    %add3A_70 = arith.addi %mul3A_66, %shift_right_arithmetic3A_69 : vector<16xi32>
    %swap3A_71 = arith.constant 48 : index
    %swap3A_72 = tpu.vector_load %arg6[%swap3A_71] {strides = array<i32>} : memref<64xi32, #tpu.memory_space<vmem>>, vector<16xi32>,
    %swap3A_73 = vector.shape_cast %swap3A_72 : vector<16xi32> to vector<16xi32>
    %swap3A_74 = vector.shape_cast %add3A_70 : vector<16xi32> to vector<16xi32>
    tpu.vector_store %arg6[%swap3A_71], %swap3A_74 {strides = array<i32>} : memref<64xi32, #tpu.memory_space<vmem>>, vector<16xi32>,
    %dma_start3A = arith.constant 0 : i32
    %dma_start3A_75 = arith.constant 0 : i32
    %dma_start3A_76 = tpu.memref_slice %arg2[%dma_start3A, %dma_start3A_75] : memref<2048x128xf32, #tpu.memory_space<hbm>> -> memref<2048x128xf32, #tpu.memory_space<hbm>>
    tpu.enqueue_indirect_dma source(%dma_start3A_76 : memref<2048x128xf32, #tpu.memory_space<hbm>>) target(%arg7 : memref<64x128xf32, #tpu.memory_space<vmem>>) offsets(%arg6 : memref<64xi32, #tpu.memory_space<vmem>>) semaphore(%arg8 : memref<!tpu.dma_semaphore, #tpu.memory_space<semaphore_mem>>)
    %dma_wait3A = arith.constant 0 : i32
    %dma_wait3A_77 = arith.constant 0 : i32
    %dma_wait3A_78 = tpu.memref_slice %arg2[%dma_wait3A, %dma_wait3A_77] : memref<2048x128xf32, #tpu.memory_space<hbm>> -> memref<2048x128xf32, #tpu.memory_space<hbm>>
    tpu.wait_indirect_dma semaphore(%arg8 : memref<!tpu.dma_semaphore, #tpu.memory_space<semaphore_mem>>) src(%dma_wait3A_78 : memref<2048x128xf32, #tpu.memory_space<hbm>>) dst(%arg7 : memref<64x128xf32, #tpu.memory_space<vmem>>)
    "tpu.region"() ({
      %run_scoped3A = tpu.sem_alloc : memref<!tpu.dma_semaphore, #tpu.memory_space<semaphore_mem>>
      %dma_start3A_79 = arith.constant 0 : i32
      %dma_start3A_80 = tpu.memref_slice %arg4[%mul3A_2, %dma_start3A_79] : memref<2048x128xf32, #tpu.memory_space<hbm>> -> memref<64x128xf32, #tpu.memory_space<hbm>>
      %dma_start3A_81 = arith.constant 0 : i32
      %dma_start3A_82 = tpu.memref_slice %arg4[%mul3A_2, %dma_start3A_81] : memref<2048x128xf32, #tpu.memory_space<hbm>> -> memref<64x128xf32, #tpu.memory_space<hbm>>
      tpu.enqueue_dma source(%arg7 : memref<64x128xf32, #tpu.memory_space<vmem>>) target(%dma_start3A_82 : memref<64x128xf32, #tpu.memory_space<hbm>>) target_semaphore(%run_scoped3A : memref<!tpu.dma_semaphore, #tpu.memory_space<semaphore_mem>>)
      %dma_wait3A_83 = arith.constant 0 : i32
      %dma_wait3A_84 = tpu.memref_slice %arg4[%mul3A_2, %dma_wait3A_83] : memref<2048x128xf32, #tpu.memory_space<hbm>> -> memref<64x128xf32, #tpu.memory_space<hbm>>
      %dma_wait3A_85 = arith.constant 0 : i32
      %dma_wait3A_86 = tpu.memref_slice %arg4[%mul3A_2, %dma_wait3A_85] : memref<2048x128xf32, #tpu.memory_space<hbm>> -> memref<64x128xf32, #tpu.memory_space<hbm>>
      tpu.wait_dma2 semaphore(%run_scoped3A : memref<!tpu.dma_semaphore, #tpu.memory_space<semaphore_mem>>) src(%arg7 : memref<64x128xf32, #tpu.memory_space<vmem>>) dst(%dma_wait3A_86 : memref<64x128xf32, #tpu.memory_space<hbm>>)
      tpu.yield
    }) : () -> ()
    return
  }
}

</mosaic_0001>

<sc_bundles>
// kernel: kernel.3.cloned.1.call-start
scs
__scs_entry_jumppad:
0x0: {  	(pc) =	sbr.rel $0x88, $3  }
0x1: {  	(tag) =	ssettag $0x0;
	lr =	simm.s32 $0x1  }
0x2: {  	[smem:$0x3F9F] =	sst lr;
	_ =	strace $0xD0000000  }
0x3: {  	_ = 	snop  }
0x4: {  	_ = 	snop  }
0x5: {  	_ = 	snop  }
0x6: {  	_ = 	snop  }
0x7: {  	_ = 	snop  }
__scs_overlays_trampoline_lowered:
0x8: {  	[smem:$0x3FAE] =	sst s0  }
0x9: {  	[smem:$0x3FAF] =	sst s1  }
0xa: {  	[smem:$0x3FB0] =	sst s2  }
0xb: {  	[smem:$0x3FB1] =	sst s3  }
0xc: {  	[smem:$0x3FB2] =	sst s4  }
0xd: {  	[smem:$0x3FB3] =	sst s5  }
0xe: {  	[smem:$0x3FB4] =	sst s6  }
0xf: {  	[smem:$0x3FB5] =	sst s7  }
0x10: {  	[smem:$0x3FB6] =	sst s8  }
0x11: {  	[smem:$0x3FB7] =	sst s9;
	s0 =	simm.s32 @!p0 $0x0  }
0x12: {  	s1 =	sld [smem:$0x3F9D];
	s0 =	simm.s32 @p0 $0x1  }
0x13: {  	[smem:$0x3FB8] =	sst s0;
	s0 =	simm.s32 @!p1 $0x0  }
0x14: {  	s2 =	sld [smem:$0x3F9C];
	s0 =	simm.s32 @p1 $0x1  }
0x15: {  	[smem:$0x3FB9] =	sst s0;
	s0 =	simm.s32 @!p2 $0x0  }
0x16: {  	s3 =	sld [smem:$0x3FDB];
	s0 =	simm.s32 @p2 $0x1  }
0x17: {  	s4 =	simm.s32 $0x1BF5;
	[smem:$0x3FBB] =	sst s0  }
0x18: {  	s0 =	sld [smem:$0x3F9E];
	_ =	swait.ge [sflag:s4], $0x0  }
0x19: {  	s7 =	sld [smem:$0x3F9F]  }
0x1a: {  	s8 =	sadd.s32 $0xFFFFE003, lr  }
0x1b: {  	s9 =	sadd.s32 $0xFFFFFEF7, lr;
	s5 =	simm.s32 $0xFFFFFFFF;
	p2 =	slt.u32 s8, $0xFFFFF086  }
0x1c: {  	p1 =	slt.u32 s9, $0xF7A;
	s5 =	simm.s32 @!p2 $0x0  }
0x1d: {  	s5 =	simm.s32 @p1 $0x1;
	p0 =	seq.s32 s7, s2  }
0x1e: {  	s7 =	smul.u32 @!p0 $0xF7A, s2;
	p2 =	seq.s32 @!p0 s5, $0x0  }
0x1f: {  	s9 =	smul.u32 $0xF7A, s1;
	s8 =	simm.s32 @!p0 $0x1BF5;
	p2 =	por !p2, p0  }
0x20: {  	[sflag:s8] =	ssyncset.s32 @!p0 $0xFFFFF086;
	s6 =	sadd.s32 @!p0 s3, s7;
	s7 =	simm.s32 @!p0 $0x108  }
0x21: {  	s3 =	sadd.s32 s3, s9;
	s6 =	sadd.s32 @!p0 $0x88, s6;
	s7 =	simm.s32 @p2 $0x1082  }
0x22: {  	[simem:s7], [sflag:s8] =	dma.local @!p0 [hbm:s6], $0xF7A  }
0x23: {  	s9 =	sor.u32 $0xD0000000, s2;
	s6 =	simm.s32 $0x108;
	_ =	swait.ge @!p0 [sflag:s8], $0x0  }
0x24: {  	s3 =	sadd.s32 $0x88, s3;
	s6 =	simm.s32 @!p1 $0x1082;
	[sflag:s4] =	ssyncset.s32 $0xFFFFF086  }
0x25: {  	[simem:s6], [sflag:s4] =	dma.local [hbm:s3], $0xF7A  }
0x26: {  	[smem:$0x3F9F] =	sst s1;
	(tag) =	ssettag s2;
	_ =	strace s9  }
0x27: {  	s1 =	sld [smem:$0x3FAF]  }
0x28: {  	s2 =	sld [smem:$0x3FB0]  }
0x29: {  	s4 =	sld [smem:$0x3FB2]  }
0x2a: {  	p0 =	seq.s32 s5, $0x0;
	s5 =	sld [smem:$0x3FB3]  }
0x2b: {  	s6 =	sld [smem:$0x3FB4]  }
0x2c: {  	s7 =	sld [smem:$0x3FB5]  }
0x2d: {  	s3 =	simm.s32 $0x108;
	s8 =	sld [smem:$0x3FB6]  }
0x2e: {  	s3 =	simm.s32 @!p0 $0x1082;
	s9 =	sld [smem:$0x3FB7]  }
0x2f: {  	lr =	sadd.s32 s0, s3;
	s0 =	sld [smem:$0x3FAE]  }
0x30: {  	s3 =	sld [smem:$0x3FB1]  }
0x31: {  	[smem:$0x3FBA] =	sst s10  }
0x32: {  	s10 =	sld [smem:$0x3FB8];
	_ =	sdelay $0x3  }
0x33: {  	p0 =	seq.s32 s10, $0x1;
	s10 =	sld [smem:$0x3FBA];
	_ =	sdelay $0x3  }
0x34: {  	[smem:$0x3FBA] =	sst s10  }
0x35: {  	s10 =	sld [smem:$0x3FB9];
	_ =	sdelay $0x3  }
0x36: {  	p1 =	seq.s32 s10, $0x1;
	s10 =	sld [smem:$0x3FBA];
	_ =	sdelay $0x3  }
0x37: {  	[smem:$0x3FBA] =	sst s10  }
0x38: {  	s10 =	sld [smem:$0x3FBB]  }
0x39: {  	_ = 	snop;
	(pc) =	sbr.ind lr, $3  }
0x3a: {  	_ = 	snop  }
0x3b: {  	_ = 	snop  }
0x3c: {  	p2 =	seq.s32 s10, $0x1;
	s10 =	sld [smem:$0x3FBA]  }
0x3d: {  	_ =	shalt  }
0x3e: {  	_ =	shalt  }
0x3f: {  	_ =	shalt  }
0x40: {  	_ =	shalt  }
0x41: {  	_ =	shalt  }
0x42: {  	_ =	shalt  }
0x43: {  	_ =	shalt  }
0x44: {  	_ =	shalt  }
0x45: {  	_ =	shalt  }
0x46: {  	_ =	shalt  }
0x47: {  	_ =	shalt  }
0x48: {  	_ =	shalt  }
0x49: {  	_ =	shalt  }
0x4a: {  	_ =	shalt  }
0x4b: {  	_ =	shalt  }
0x4c: {  	_ =	shalt  }
0x4d: {  	_ =	shalt  }
0x4e: {  	_ =	shalt  }
0x4f: {  	_ =	shalt  }
0x50: {  	_ =	shalt  }
0x51: {  	_ =	shalt  }
0x52: {  	_ =	shalt  }
0x53: {  	_ =	shalt  }
0x54: {  	_ =	shalt  }
0x55: {  	_ =	shalt  }
0x56: {  	_ =	shalt  }
0x57: {  	_ =	shalt  }
0x58: {  	_ =	shalt  }
0x59: {  	_ =	shalt  }
0x5a: {  	_ =	shalt  }
0x5b: {  	_ =	shalt  }
0x5c: {  	_ =	shalt  }
0x5d: {  	_ =	shalt  }
0x5e: {  	_ =	shalt  }
0x5f: {  	_ =	shalt  }
0x60: {  	_ =	shalt  }
0x61: {  	_ =	shalt  }
0x62: {  	_ =	shalt  }
0x63: {  	_ =	shalt  }
0x64: {  	_ =	shalt  }
0x65: {  	_ =	shalt  }
0x66: {  	_ =	shalt  }
0x67: {  	_ =	shalt  }
0x68: {  	_ =	shalt  }
0x69: {  	_ =	shalt  }
0x6a: {  	_ =	shalt  }
0x6b: {  	_ =	shalt  }
0x6c: {  	_ =	shalt  }
0x6d: {  	_ =	shalt  }
0x6e: {  	_ =	shalt  }
0x6f: {  	_ =	shalt  }
0x70: {  	_ =	shalt  }
0x71: {  	_ =	shalt  }
0x72: {  	_ =	shalt  }
0x73: {  	_ =	shalt  }
0x74: {  	_ =	shalt  }
0x75: {  	_ =	shalt  }
0x76: {  	_ =	shalt  }
0x77: {  	_ =	shalt  }
0x78: {  	_ =	shalt  }
0x79: {  	_ =	shalt  }
0x7a: {  	_ =	shalt  }
0x7b: {  	_ =	shalt  }
0x7c: {  	_ =	shalt  }
0x7d: {  	_ =	shalt  }
0x7e: {  	_ =	shalt  }
0x7f: {  	_ =	shalt  }
0x80: {  	_ =	shalt  }
0x81: {  	_ =	shalt  }
0x82: {  	_ =	shalt  }
0x83: {  	_ =	shalt  }
0x84: {  	_ =	shalt  }
0x85: {  	_ =	shalt  }
0x86: {  	_ =	shalt  }
0x87: {  	_ =	shalt  }
.Lfunc_end0:
.L_simem_size_0:
called_computation_lowered:
.L_overlay_start_0:
0x88: {  	s2 =	sld [smem:$0x3FD9]  }
0x89: {  	s3 =	sld [smem:$0x3FFE];
	_ =	sdelay $0x1  }
0x8a: {  	s1 =	srdreg.scid  }
0x8b: {  	s0 =	sand.u32 $0x1, s1  }
0x8c: {  	s17 =	sshll.u32 s0, $0xA;
	s2 =	sadd.s32 s3, s2  }
0x8d: {  	s2 =	sadd.s32 s2, s17  }
0x8e: {  	[smem:$0x3FC6] =	sst s2  }
0x8f: {  	_ = 	snop  }
0x90: {  	s2 =	sld [smem:$0x3FC8];
	(tm) =	ssettm $0x1  }
0x91: {  	s18 =	sld [smem:$0x3FFB];
	_ =	sdelay $0x3  }
0x92: {  	_ =	strace s18  }
0x93: {  	s3 =	sld [smem:$0x3FFC];
	_ =	sdelay $0x3  }
0x94: {  	_ =	strace s3  }
0x95: {  	s3 =	sld [smem:$0x3FFD];
	_ =	sdelay $0x3  }
0x96: {  	_ =	strace s3  }
0x97: {  	_ =	strace $0x8FFFFFFF  }
0x98: {  	s19 =	sld [smem:$0x3FDB];
	_ =	sdelay $0x1  }
0x99: {  	s4 =	simm.s32 $_scs_section_size  }
0x9a: {  	s5 =	simm.s32 $_size__tile_overlayer_lowered;
	s6 =	simm.s32 $_tile_overlayer_lowered  }
0x9b: {  	s22 =	simm.s32 $0x1BFF;
	s21 =	sshll.u32 s6, $0x1;
	s3 =	sadd.s32 s4, s19  }
0x9c: {  	s7 =	simm.s32 $0x0;
	s20 =	sshll.u32 s5, $0x1;
	s5 =	sadd.s32 s21, s3  }
0x9d: {  	[timem:s7], [sflag:s22] =	dma.local [hbm:s5], s20  }
0x9e: {  	_ =	swait.ge [sflag:s22], s20  }
0x9f: {  	s4 =	ssub.s32 $0x0, s20;
	[sflag:s22] =	ssyncset.done $0x0  }
0xa0: {  	[sflag:s22] =	ssyncadd.s32 s4;
	_ =	sdelay $0x1  }
0xa1: {  	s23 =	simm.s32 $0x1B8B  }
0xa2: {  	_ =	swait.ge [sflag:s23], $0x1  }
0xa3: {  	[sflag:s23] =	ssyncset.done $0x0  }
0xa4: {  	s25 =	simm.s32 $0x1B8E;
	s24 =	sld [smem:$0x3FFE];
	[sflag:s23] =	ssyncadd.s32 $0xFFFFFFFF  }
0xa5: {  	s26 =	simm.s32 $execute0_lowered;
	[smem:$0x3FD2] =	sst s25  }
0xa6: {  	s5 =	sshll.u32 s26, $0x1;
	_ =	strace $0x80000046;
	[dreg:$0x1] =	wrdreg $0xFFFFFFFF  }
0xa7: {  	s28 =	simm.s32 $_size_execute0_lowered;
	s3 =	sadd.s32 s3, s5;
	[dreg:$0x0] =	wrdreg $0x0  }
0xa8: {  	s5 =	sshll.u32 s28, $0x1;
	[dreg:$0x2] =	wrdreg s3  }
0xa9: {  	[dreg:$0x3] =	wrdreg s5  }
0xaa: {  	[dreg:$0x4] =	wrdreg $0xC0  }
0xab: {  	_ =	task [dreg:s7], $0x5FFFF  }
0xac: {  	[dreg:$0x1] =	wrdreg $0xFFFFFFFF  }
0xad: {  	[dreg:$0x0] =	wrdreg $0x60  }
0xae: {  	[dreg:$0x2] =	wrdreg s24  }
0xaf: {  	[dreg:$0x3] =	wrdreg s2  }
0xb0: {  	[dreg:$0x4] =	wrdreg $0x9  }
0xb1: {  	_ =	task.clear_ibuf [dreg:s7], $0x5FFFF;
	_ =	strace $0x90000046  }
0xb2: {  	s29 =	simm.s32 $0x9;
	_ =	strace $0x80000048  }
0xb3: {  	_ =	swait.ge [sflag:s29], $0x1  }
0xb4: {  	[sflag:s29] =	ssyncadd.s32 $0xFFFFFFFF  }
0xb5: {  	_ =	strace $0x90000048  }
0xb6: {  	_ =	sfence  }
0xb7: {  	s30 =	sld [smem:$0x0];
	_ =	sdelay $0x2  }
0xb8: {  	s31 =	sshll.u32 s1, $0xD;
	s1 =	sshrl.u32 s1, $0x2  }
0xb9: {  	s3 =	sand.u32 $0x4000, s31;
	s1 =	sadd.s32 s1, s30  }
0xba: {  	s0 =	sor.u32 s3, s0;
	s1 =	sshll.u32 s1, $0x11  }
0xbb: {  	s0 =	sor.u32 s1, s0  }
0xbc: {  	s0 =	sadd.s32 $0x8F2B, s0  }
0xbd: {  	[sflag:s0] =	ssyncadd.remote.s32 $0x1  }
0xbe: {  	_ =	sfence.sel $0xFFFF  }
0xbf: {  	[dreg:$0x0] =	wrdreg $0xFFFFFFFF;
	(pc) =	sbr.abs _section_cstart, $3  }
0xc0: {  	[dreg:$0x1] =	wrdreg $0xFFFFFFFF  }
0xc1: {  	_ =	task.clear_ibuf [dreg:s7], $0x2FFFF;
	_ =	strace $0x9FFFFFFF  }
0xc2: {  	(tm) =	ssettm $0x7FFFFFFF  }
0xc3: {  	_ =	shalt  }
tec
execute0_lowered:
.L_overlay_start_1:
0x0: {  	(tag) =	ssettag $0x1  }
0x1: {  	s1 =	srdreg.scid  }
0x2: {  	s2 =	rddreg [dreg:$0x0];
	s0 =	stileid.u32;
	s6 =	sand.u32 $0x1, s1  }
0x3: {  	s4 =	rddreg [dreg:$0x1];
	s5 =	sshll.u32 s0, $0x7;
	s7 =	sshll.u32 s6, $0x6  }
0x4: {  	s3 =	simm.s32 $0x0;
	s1 =	rddreg [dreg:$0x2];
	s10 =	sor.u32 s7, s5  }
0x5: {  	[smem:$0x7FF] =	sst s3;
	s5 =	sshrl.u32 s10, $0x3  }
0x6: {  	_ =	strace $0x80000047;
	s5 =	sadd.s32 s4, s5;
	s4 =	simm.s32 $0x2  }
0x7: {  	[tilespmem:s3], [sflag:$0x2] =	stream.linear.gather [hbm4b:s5+s3], $0x40, $0x38;
	[tilespmem:$0x2100] =	vst v63  }
0x8: {  	_ =	swait.ge [sflag:s4], $0x40  }
0x9: {  	[sflag:s4] =	ssyncset.done $0x0  }
0xa: {  	[sflag:s4] =	ssyncadd.s32 $0xFFFFFFC0  }
0xb: {  	v1 =	vld [tilespmem:$0x30]  }
0xc: {  	v2 =	vld [tilespmem:$0x20]  }
0xd: {  	v3 =	vld [tilespmem:$0x0]  }
0xe: {  	v4 =	vld [tilespmem:$0x10]  }
0xf: {  	v5 =	vlaneseq.u32;
	s7 =	sor.u32 $0x30, s10  }
0x10: {  	s6 =	ssub.s32 $0x2, s6;
	s8 =	sor.u32 $0x20, s10;
	v0 =	vor.u32 s7, v5;
	v6 =	vshra.s32 v1, $0x7  }
0x11: {  	s31 =	sshrl.u32 s6, $0x1;
	v1 =	vor.u32 s8, v5;
	v7 =	vshra.s32 v2, $0x7;
	v6 =	vadd.s32 v6, v0  }
0x12: {  	s30 =	sor.u32 $0x10, s10;
	s11 =	ssub.s32 s6, s31;
	v2 =	vor.u32 s10, v5;
	v8 =	vshra.s32 v3, $0x7;
	v7 =	vadd.s32 v7, v1;
	[tilespmem:$0xB0] =	vst v6  }
0x13: {  	s11 =	smax.u32 s11, $0x1;
	v3 =	vor.u32 s30, v5;
	v4 =	vshra.s32 v4, $0x7;
	v5 =	vadd.s32 v8, v2;
	[tilespmem:$0xA0] =	vst v7  }
0x14: {  	s9 =	simm.s32 $0x1;
	s6 =	simm.s32 $0x40;
	p0 =	sne.s32 s11, $0x1;
	v4 =	vadd.s32 v4, v3;
	[tilespmem:$0x80] =	vst v5  }
.Ltmp0:
0x15: {  	s7 =	simm.s32 $0x100;
	s8 =	simm.s32 $0x80;
	[tilespmem:$0x90] =	vst v4;
	(pc) =	sbr.rel @!p0 .LBB2_2-.Ltmp0, $4  }
0x16: {  	[tilespmem:s7], [sflag:$0x1] =	stream.indirect.gather [hbm4b:s2+s6], $0x80, s8, s6, $0xb8;
	[tilespmem:$0x2100] =	vst v63  }
0x17: {  	s10 =	sshll.u32 s10, $0x4;
	_ =	swait.ge [sflag:s9], $0x2000  }
0x18: {  	s10 =	sadd.s32 s10, s2;
	[sflag:s9] =	ssyncset.done $0x0  }
0x19: {  	s11 =	sadd.s32 $0xFFFFFFFF, s11;
	s10 =	sadd.s32 $0x8000, s10;
	[sflag:s9] =	ssyncadd.s32 $0xFFFFE000  }
.LBB2_1:
0x1a: {  	[hbm4b:s10+s3] =	stream.linear.scatter [tilespmem:s7], [sflag:$0x2], $0x2000, $0x38;
	[tilespmem:$0x2100] =	vst v63  }
0x1b: {  	p0 =	sne.s32 s11, $0x1;
	s11 =	sadd.s32 $0xFFFFFFFF, s11;
	_ =	swait.ge [sflag:s4], $0x2000  }
0x1c: {  	[sflag:s4] =	ssyncset.done $0x0  }
0x1d: {  	[sflag:s4] =	ssyncadd.s32 $0xFFFFE000  }
0x1e: {  	[tilespmem:s3], [sflag:$0x2] =	stream.linear.gather [hbm4b:s5+s3], $0x40, $0x38;
	[tilespmem:$0x2100] =	vst v63  }
0x1f: {  	_ =	swait.ge [sflag:s4], $0x40  }
0x20: {  	[sflag:s4] =	ssyncset.done $0x0  }
0x21: {  	[sflag:s4] =	ssyncadd.s32 $0xFFFFFFC0  }
0x22: {  	v4 =	vld [tilespmem:$0x30]  }
0x23: {  	v5 =	vld [tilespmem:$0x20]  }
0x24: {  	v6 =	vld [tilespmem:$0x0]  }
0x25: {  	v7 =	vld [tilespmem:$0x10];
	_ =	sdelay $0x1  }
0x26: {  	v4 =	vshra.s32 v4, $0x7  }
0x27: {  	v5 =	vshra.s32 v5, $0x7;
	v4 =	vadd.s32 v4, v0  }
0x28: {  	v6 =	vshra.s32 v6, $0x7;
	v5 =	vadd.s32 v5, v1;
	[tilespmem:$0xB0] =	vst v4  }
0x29: {  	v4 =	vadd.s32 v6, v2;
	v6 =	vshra.s32 v7, $0x7;
	[tilespmem:$0xA0] =	vst v5  }
0x2a: {  	[tilespmem:$0x80] =	vst v4;
	v4 =	vadd.s32 v6, v3  }
.Ltmp1:
0x2b: {  	[tilespmem:$0x90] =	vst v4;
	(pc) =	sbr.rel @p0 .LBB2_1-.Ltmp1, $4  }
0x2c: {  	[tilespmem:s7], [sflag:$0x1] =	stream.indirect.gather [hbm4b:s2+s6], $0x80, s8, s6, $0xb8;
	[tilespmem:$0x2100] =	vst v63  }
0x2d: {  	_ =	swait.ge [sflag:s9], $0x2000  }
0x2e: {  	[sflag:s9] =	ssyncset.done $0x0  }
0x2f: {  	[sflag:s9] =	ssyncadd.s32 $0xFFFFE000  }
.LBB2_2:
0x30: {  	[hbm4b:s10+s3] =	stream.linear.scatter [tilespmem:s7], [sflag:$0x2], $0x2000, $0x38;
	[tilespmem:$0x2100] =	vst v63  }
0x31: {  	_ =	swait.ge [sflag:s4], $0x2000  }
0x32: {  	[sflag:s4] =	ssyncset.done $0x0  }
0x33: {  	[sflag:s4] =	ssyncadd.s32 $0xFFFFE000  }
0x34: {  	_ =	sfence.sel $0x180000  }
0x35: {  	[bflag:$0x0] =	sbarrier.arrive $0xFFFF  }
0x36: {  	p0 =	sne.s32 s0, $0x0;
	_ =	strace $0x90000047  }
0x37: {  	s0 =	sadd.s32 @!p0 $0x100000, s1;
	[bflag:$0x2] =	sbarrier.arrive $0xFFFF  }
0x38: {  	[sflag:s0] =	ssyncadd.tile.s32 @!p0 $0x1;
	_ =	shalt  }
.Lfunc_end2:
_tile_overlayer_lowered:
.L_overlay_start_2:
0x39: {  	(tag) =	ssettag $0x2  }
0x3a: {  	s0 =	rddreg [dreg:$0x0];
	s2 =	stileid.u32  }
0x3b: {  	s1 =	rddreg [dreg:$0x1];
	p0 =	sne.s32 s2, $0x0  }
0x3c: {  	s3 =	rddreg [dreg:$0x2];
	[bflag:$0x3] =	sbarrier.arrive $0xFFFF;
	s2 =	simm.s32 @!p0 $0x1C02  }
0x3d: {  	[timem:s3], [sflag:s2] =	dma.local @!p0 [hbm:s0], s1  }
0x3e: {  	s0 =	simm.s32 @!p0 $0x2  }
0x3f: {  	_ =	swait.ge @!p0 [sflag:s0], s1  }
0x40: {  	s1 =	ssub.s32 @!p0 $0x0, s1;
	[sflag:s0] =	ssyncset.done @!p0 $0x0  }
0x41: {  	[sflag:s0] =	ssyncadd.s32 @!p0 s1  }
0x42: {  	[bflag:$0x3] =	sbarrier.arrive $0xFFFF  }
0x43: {  	_ =	shalt  }

</sc_bundles>
